<compile_context>
chip_gen: v7x
topology: tpu7x:2x2x1
jax: 0.10.2.dev20260603
libtpu: 0.0.44.dev20260713+nightly
codegen_flags: <defaults>
</compile_context>

<pallas_src>
import functools

import jax
import jax.numpy as jnp
from jax import lax
from jax.experimental import pallas as pl
from jax.experimental.pallas import tpu as pltpu
from jax.experimental.pallas import tpu_sc as plsc

_N = 8 * 1 * 512 * 512
_ROWS, _COLS = 4096, 512
_RSC = 1024
_NC, _NS = 2, 16
_NW = _NC * _NS
_ROWS_W = _RSC // _NW
_CROWS = 32
_NCHUNK = _ROWS_W // _CROWS
_VSTEPS = _CROWS * _COLS // 16
_TC_BR = 512
_TC_NB = (_ROWS - _RSC) // _TC_BR

_LOG1P = (
    -5.4370932e-02, 2.1644871e-01, -4.6502045e-01, 9.9596578e-01,
    7.9420774e-05,
)
_SIGN = -2147483648
_MAG = 0x7FFFFFFF


def _loss16(x, t):
    xb = lax.bitcast_convert_type(x, jnp.int32)
    ax = lax.bitcast_convert_type(xb & jnp.int32(_MAG), jnp.float32)
    na = lax.bitcast_convert_type(xb | jnp.int32(_SIGN), jnp.float32)
    a = jnp.exp(na)
    pos = (xb ^ (t << 31)) >= 0
    poly = jnp.full((16,), _LOG1P[0], jnp.float32)
    for c in _LOG1P[1:]:
        poly = poly * a + jnp.float32(c)
    sel = jnp.where(pos, ax + poly, (a * a) * poly)
    inv = jnp.float32(1.0) / (jnp.float32(1.0) + a)
    return sel * inv * inv


@functools.partial(
    pl.kernel,
    out_type=jax.ShapeDtypeStruct((_NW, 16), jnp.float32),
    mesh=plsc.VectorSubcoreMesh(core_axis_name="c", subcore_axis_name="s"),
    scratch_types=[
        pltpu.VMEM((2, _CROWS, _COLS), jnp.float32),
        pltpu.VMEM((2, _CROWS, _COLS), jnp.int32),
        pltpu.VMEM((16,), jnp.float32),
        pltpu.SemaphoreType.DMA((2,)),
        pltpu.SemaphoreType.DMA((2,)),
    ],
    compiler_params=pltpu.CompilerParams(use_tc_tiling_on_sc=True),
)
def _focal_sc(logit_hbm, target_hbm, out_hbm, xbuf, tbuf, accv, semx, semt):
    wid = lax.axis_index("s") * _NC + lax.axis_index("c")
    base = wid * _ROWS_W

    def start(c):
        b = c % 2
        off = base + c * _CROWS
        cx = pltpu.async_copy(logit_hbm.at[pl.ds(off, _CROWS), :],
                              xbuf.at[b], semx.at[b])
        ct = pltpu.async_copy(target_hbm.at[pl.ds(off, _CROWS), :],
                              tbuf.at[b], semt.at[b])
        return cx, ct

    pend = [None] * _NCHUNK
    pend[0] = start(0)
    acc = jnp.zeros((16,), jnp.float32)
    for c in range(_NCHUNK):
        if c + 1 < _NCHUNK:
            pend[c + 1] = start(c + 1)
        cx, ct = pend[c]
        cx.wait()
        ct.wait()
        b = c % 2

        @plsc.parallel_loop(0, _VSTEPS, unroll=4, carry=acc)
        def vloop(i, acc):
            r = i >> 5
            s = (i & 31) * 16
            return acc + _loss16(xbuf[b, r, pl.ds(s, 16)],
                                 tbuf[b, r, pl.ds(s, 16)])

        acc = vloop
    accv[...] = acc
    pltpu.sync_copy(accv, out_hbm.at[wid])


def _focal_tc_body(x_ref, t_ref, o_ref):
    i = pl.program_id(0)

    def strip8(x, t):
        xb = lax.bitcast_convert_type(x, jnp.int32)
        ax = lax.bitcast_convert_type(xb & jnp.int32(_MAG), jnp.float32)
        na = lax.bitcast_convert_type(xb | jnp.int32(_SIGN), jnp.float32)
        a = jnp.exp(na)
        pos = (xb ^ (t << 31)) >= 0
        poly = jnp.full(x.shape, _LOG1P[0], jnp.float32)
        for c in _LOG1P[1:]:
            poly = poly * a + jnp.float32(c)
        sel = jnp.where(pos, ax + poly, (a * a) * poly)
        inv = jnp.float32(1.0) / (jnp.float32(1.0) + a)
        return sel * inv * inv

    def strip(s, acc):
        for k in range(4):
            r = s * 32 + k * 8
            acc = acc + strip8(x_ref[pl.ds(r, 8), :], t_ref[pl.ds(r, 8), :])
        return acc

    acc = lax.fori_loop(0, _TC_BR // 32, strip,
                        jnp.zeros((8, _COLS), jnp.float32))

    @pl.when(i == 0)
    def _init():
        o_ref[...] = jnp.zeros((1, 1), jnp.float32)

    o_ref[...] += jnp.sum(acc).reshape(1, 1)


_focal_tc = functools.partial(
    pl.pallas_call,
    grid=(_TC_NB,),
    in_specs=[
        pl.BlockSpec((_TC_BR, _COLS), lambda i: (i + _RSC // _TC_BR, 0)),
        pl.BlockSpec((_TC_BR, _COLS), lambda i: (i + _RSC // _TC_BR, 0)),
    ],
    out_specs=pl.BlockSpec((1, 1), lambda i: (0, 0)),
    out_shape=jax.ShapeDtypeStruct((1, 1), jnp.float32),
)(_focal_tc_body)


def kernel(logit, target):
    x2 = logit.reshape(_ROWS, _COLS)
    t2 = target.reshape(_ROWS, _COLS)
    parts = _focal_sc(x2, t2)
    tc_sum = _focal_tc(x2, t2)
    return (jnp.sum(parts) + tc_sum[0, 0]) / jnp.float32(_N)

# --- scband reference (transcript-rebuilt; emitter-appended) ---
"""Pipeline reference for scband-focal-loss2d-3075196584103 (READ-ONLY COPY).

The authoritative reference and input builder live on the scoring server;
editing this copy changes nothing except your own understanding.
"""

import jax, jax.numpy as jnp
import numpy as np


def setup_inputs(seed=0) -> dict:
    key = jax.random.key(seed)
    k1, k2 = jax.random.split(key)
    logit = jax.random.normal(k1, (8, 1, 512, 512), dtype=jnp.float32)
    target = jax.random.randint(k2, (8, 1, 512, 512), 0, 2, dtype=jnp.int32)
    return {"logit": logit, "target": target}


def reference(logit, target):
    gamma = 2.0
    t = target.reshape(-1).astype(jnp.int32)
    n = t.shape[0]
    # sigmoid branch of FocalLoss2d
    p = jax.nn.sigmoid(logit).reshape(-1)
    prob = jnp.concatenate([(1.0 - p)[:, None], p[:, None]], axis=1)  # [N, 2]
    # select = one-hot scatter of target into [N, 2]
    select = jnp.zeros((n, 2), dtype=jnp.float32).at[jnp.arange(n), t].set(1.0)
    # class_weight defaults to [1, 1]; gather per-element weight by target
    class_weight = jnp.ones((2,), dtype=jnp.float32)
    cw = jnp.take(class_weight, t)  # [N]
    prob_sel = jnp.sum(prob * select, axis=1)
    prob_sel = jnp.clip(prob_sel, 1e-08, 1.0 - 1e-08)
    batch_loss = -cw * jnp.power(1.0 - prob_sel, gamma) * jnp.log(prob_sel)
    # size_average=True
    return jnp.mean(batch_loss)

if __name__ == "__main__":
    import jax
    _d = setup_inputs()
    print(jax.jit(kernel)(*tuple(_d.values())))

</pallas_src>

<mosaic_0001>
#map = affine_map<(d0, d1) -> (0, 0)>
module attributes {stable_mosaic.version = 14 : i64} {
  func.func @_focal_sc(%arg0: i32, %arg1: i32, %arg2: memref<4096x512xf32, #tpu.memory_space<hbm>>, %arg3: memref<4096x512xi32, #tpu.memory_space<hbm>>, %arg4: memref<32x16xf32, #tpu.memory_space<hbm>>, %arg5: memref<2x32x512xf32, #tpu.memory_space<vmem>>, %arg6: memref<2x32x512xi32, #tpu.memory_space<vmem>>, %arg7: memref<16xf32, #tpu.memory_space<vmem>>, %arg8: memref<2x!tpu.dma_semaphore, #tpu.memory_space<semaphore_mem>>, %arg9: memref<2x!tpu.dma_semaphore, #tpu.memory_space<semaphore_mem>>) attributes {dimension_semantics = [#tpu.dimension_semantics<core_parallel>, #tpu.dimension_semantics<subcore_parallel>], iteration_bounds = array<i64: 2, 16>, scalar_prefetch = 0 : i64, scratch_operands = 5 : i64, tpu.core_type = #tpu.core_type<sc_vector_subcore>, window_params = [{transform_indices = #map}, {transform_indices = #map}, {transform_indices = #map}]} {
    %mul3A = arith.constant 2 : i32
    %mul3A_0 = arith.muli %arg1, %mul3A : i32
    %add3A = arith.addi %mul3A_0, %arg0 : i32
    %mul3A_1 = arith.constant 32 : i32
    %mul3A_2 = arith.muli %add3A, %mul3A_1 : i32
    %add3A_3 = arith.constant 0 : i32
    %add3A_4 = arith.addi %mul3A_2, %add3A_3 : i32
    %dma_start3A = arith.constant 0 : i32
    %dma_start3A_5 = arith.constant 0 : i32
    %dma_start3A_6 = arith.constant 0 : i32
    %dma_start3A_7 = arith.constant 0 : i32
    %dma_start3A_8 = tpu.memref_slice %arg5[%dma_start3A, %dma_start3A_6, %dma_start3A_7] : memref<2x32x512xf32, #tpu.memory_space<vmem>> -> memref<1x32x512xf32, #tpu.memory_space<vmem>>
    %dma_start3A_9 = tpu.memref_squeeze %dma_start3A_8 : memref<1x32x512xf32, #tpu.memory_space<vmem>> -> memref<32x512xf32, #tpu.memory_space<vmem>>
    %dma_start3A_10 = arith.constant 0 : i32
    %dma_start3A_11 = tpu.memref_slice %arg2[%add3A_4, %dma_start3A_10] : memref<4096x512xf32, #tpu.memory_space<hbm>> -> memref<32x512xf32, #tpu.memory_space<hbm>>
    %dma_start3A_12 = tpu.memref_slice %arg8[%dma_start3A_5] : memref<2x!tpu.dma_semaphore, #tpu.memory_space<semaphore_mem>> -> memref<1x!tpu.dma_semaphore, #tpu.memory_space<semaphore_mem>>
    %dma_start3A_13 = tpu.memref_squeeze %dma_start3A_12 : memref<1x!tpu.dma_semaphore, #tpu.memory_space<semaphore_mem>> -> memref<!tpu.dma_semaphore, #tpu.memory_space<semaphore_mem>>
    %dma_start3A_14 = arith.constant 0 : i32
    %dma_start3A_15 = arith.constant 0 : i32
    %dma_start3A_16 = tpu.memref_slice %arg5[%dma_start3A, %dma_start3A_14, %dma_start3A_15] : memref<2x32x512xf32, #tpu.memory_space<vmem>> -> memref<1x32x512xf32, #tpu.memory_space<vmem>>
    %dma_start3A_17 = tpu.memref_squeeze %dma_start3A_16 : memref<1x32x512xf32, #tpu.memory_space<vmem>> -> memref<32x512xf32, #tpu.memory_space<vmem>>
    %dma_start3A_18 = arith.constant 0 : i32
    %dma_start3A_19 = tpu.memref_slice %arg2[%add3A_4, %dma_start3A_18] : memref<4096x512xf32, #tpu.memory_space<hbm>> -> memref<32x512xf32, #tpu.memory_space<hbm>>
    tpu.enqueue_dma source(%dma_start3A_19 : memref<32x512xf32, #tpu.memory_space<hbm>>) target(%dma_start3A_17 : memref<32x512xf32, #tpu.memory_space<vmem>>) target_semaphore(%dma_start3A_13 : memref<!tpu.dma_semaphore, #tpu.memory_space<semaphore_mem>>)
    %dma_start3A_20 = arith.constant 0 : i32
    %dma_start3A_21 = arith.constant 0 : i32
    %dma_start3A_22 = arith.constant 0 : i32
    %dma_start3A_23 = arith.constant 0 : i32
    %dma_start3A_24 = tpu.memref_slice %arg6[%dma_start3A_20, %dma_start3A_22, %dma_start3A_23] : memref<2x32x512xi32, #tpu.memory_space<vmem>> -> memref<1x32x512xi32, #tpu.memory_space<vmem>>
    %dma_start3A_25 = tpu.memref_squeeze %dma_start3A_24 : memref<1x32x512xi32, #tpu.memory_space<vmem>> -> memref<32x512xi32, #tpu.memory_space<vmem>>
    %dma_start3A_26 = arith.constant 0 : i32
    %dma_start3A_27 = tpu.memref_slice %arg3[%add3A_4, %dma_start3A_26] : memref<4096x512xi32, #tpu.memory_space<hbm>> -> memref<32x512xi32, #tpu.memory_space<hbm>>
    %dma_start3A_28 = tpu.memref_slice %arg9[%dma_start3A_21] : memref<2x!tpu.dma_semaphore, #tpu.memory_space<semaphore_mem>> -> memref<1x!tpu.dma_semaphore, #tpu.memory_space<semaphore_mem>>
    %dma_start3A_29 = tpu.memref_squeeze %dma_start3A_28 : memref<1x!tpu.dma_semaphore, #tpu.memory_space<semaphore_mem>> -> memref<!tpu.dma_semaphore, #tpu.memory_space<semaphore_mem>>
    %dma_start3A_30 = arith.constant 0 : i32
    %dma_start3A_31 = arith.constant 0 : i32
    %dma_start3A_32 = tpu.memref_slice %arg6[%dma_start3A_20, %dma_start3A_30, %dma_start3A_31] : memref<2x32x512xi32, #tpu.memory_space<vmem>> -> memref<1x32x512xi32, #tpu.memory_space<vmem>>
    %dma_start3A_33 = tpu.memref_squeeze %dma_start3A_32 : memref<1x32x512xi32, #tpu.memory_space<vmem>> -> memref<32x512xi32, #tpu.memory_space<vmem>>
    %dma_start3A_34 = arith.constant 0 : i32
    %dma_start3A_35 = tpu.memref_slice %arg3[%add3A_4, %dma_start3A_34] : memref<4096x512xi32, #tpu.memory_space<hbm>> -> memref<32x512xi32, #tpu.memory_space<hbm>>
    tpu.enqueue_dma source(%dma_start3A_35 : memref<32x512xi32, #tpu.memory_space<hbm>>) target(%dma_start3A_33 : memref<32x512xi32, #tpu.memory_space<vmem>>) target_semaphore(%dma_start3A_29 : memref<!tpu.dma_semaphore, #tpu.memory_space<semaphore_mem>>)
    %broadcast_in_dim3A = arith.constant 0.000000e+00 : f32
    %broadcast_in_dim3A_36 = vector.broadcast %broadcast_in_dim3A : f32 to vector<16xf32>
    %dma_wait3A = arith.constant 0 : i32
    %dma_wait3A_37 = arith.constant 0 : i32
    %dma_wait3A_38 = arith.constant 0 : i32
    %dma_wait3A_39 = arith.constant 0 : i32
    %dma_wait3A_40 = tpu.memref_slice %arg5[%dma_wait3A, %dma_wait3A_38, %dma_wait3A_39] : memref<2x32x512xf32, #tpu.memory_space<vmem>> -> memref<1x32x512xf32, #tpu.memory_space<vmem>>
    %dma_wait3A_41 = tpu.memref_squeeze %dma_wait3A_40 : memref<1x32x512xf32, #tpu.memory_space<vmem>> -> memref<32x512xf32, #tpu.memory_space<vmem>>
    %dma_wait3A_42 = arith.constant 0 : i32
    %dma_wait3A_43 = tpu.memref_slice %arg2[%add3A_4, %dma_wait3A_42] : memref<4096x512xf32, #tpu.memory_space<hbm>> -> memref<32x512xf32, #tpu.memory_space<hbm>>
    %dma_wait3A_44 = tpu.memref_slice %arg8[%dma_wait3A_37] : memref<2x!tpu.dma_semaphore, #tpu.memory_space<semaphore_mem>> -> memref<1x!tpu.dma_semaphore, #tpu.memory_space<semaphore_mem>>
    %dma_wait3A_45 = tpu.memref_squeeze %dma_wait3A_44 : memref<1x!tpu.dma_semaphore, #tpu.memory_space<semaphore_mem>> -> memref<!tpu.dma_semaphore, #tpu.memory_space<semaphore_mem>>
    %dma_wait3A_46 = arith.constant 0 : i32
    %dma_wait3A_47 = arith.constant 0 : i32
    %dma_wait3A_48 = tpu.memref_slice %arg5[%dma_wait3A, %dma_wait3A_46, %dma_wait3A_47] : memref<2x32x512xf32, #tpu.memory_space<vmem>> -> memref<1x32x512xf32, #tpu.memory_space<vmem>>
    %dma_wait3A_49 = tpu.memref_squeeze %dma_wait3A_48 : memref<1x32x512xf32, #tpu.memory_space<vmem>> -> memref<32x512xf32, #tpu.memory_space<vmem>>
    %dma_wait3A_50 = arith.constant 0 : i32
    %dma_wait3A_51 = tpu.memref_slice %arg2[%add3A_4, %dma_wait3A_50] : memref<4096x512xf32, #tpu.memory_space<hbm>> -> memref<32x512xf32, #tpu.memory_space<hbm>>
    tpu.wait_dma2 semaphore(%dma_wait3A_45 : memref<!tpu.dma_semaphore, #tpu.memory_space<semaphore_mem>>) src(%dma_wait3A_51 : memref<32x512xf32, #tpu.memory_space<hbm>>) dst(%dma_wait3A_49 : memref<32x512xf32, #tpu.memory_space<vmem>>)
    %dma_wait3A_52 = arith.constant 0 : i32
    %dma_wait3A_53 = arith.constant 0 : i32
    %dma_wait3A_54 = arith.constant 0 : i32
    %dma_wait3A_55 = arith.constant 0 : i32
    %dma_wait3A_56 = tpu.memref_slice %arg6[%dma_wait3A_52, %dma_wait3A_54, %dma_wait3A_55] : memref<2x32x512xi32, #tpu.memory_space<vmem>> -> memref<1x32x512xi32, #tpu.memory_space<vmem>>
    %dma_wait3A_57 = tpu.memref_squeeze %dma_wait3A_56 : memref<1x32x512xi32, #tpu.memory_space<vmem>> -> memref<32x512xi32, #tpu.memory_space<vmem>>
    %dma_wait3A_58 = arith.constant 0 : i32
    %dma_wait3A_59 = tpu.memref_slice %arg3[%add3A_4, %dma_wait3A_58] : memref<4096x512xi32, #tpu.memory_space<hbm>> -> memref<32x512xi32, #tpu.memory_space<hbm>>
    %dma_wait3A_60 = tpu.memref_slice %arg9[%dma_wait3A_53] : memref<2x!tpu.dma_semaphore, #tpu.memory_space<semaphore_mem>> -> memref<1x!tpu.dma_semaphore, #tpu.memory_space<semaphore_mem>>
    %dma_wait3A_61 = tpu.memref_squeeze %dma_wait3A_60 : memref<1x!tpu.dma_semaphore, #tpu.memory_space<semaphore_mem>> -> memref<!tpu.dma_semaphore, #tpu.memory_space<semaphore_mem>>
    %dma_wait3A_62 = arith.constant 0 : i32
    %dma_wait3A_63 = arith.constant 0 : i32
    %dma_wait3A_64 = tpu.memref_slice %arg6[%dma_wait3A_52, %dma_wait3A_62, %dma_wait3A_63] : memref<2x32x512xi32, #tpu.memory_space<vmem>> -> memref<1x32x512xi32, #tpu.memory_space<vmem>>
    %dma_wait3A_65 = tpu.memref_squeeze %dma_wait3A_64 : memref<1x32x512xi32, #tpu.memory_space<vmem>> -> memref<32x512xi32, #tpu.memory_space<vmem>>
    %dma_wait3A_66 = arith.constant 0 : i32
    %dma_wait3A_67 = tpu.memref_slice %arg3[%add3A_4, %dma_wait3A_66] : memref<4096x512xi32, #tpu.memory_space<hbm>> -> memref<32x512xi32, #tpu.memory_space<hbm>>
    tpu.wait_dma2 semaphore(%dma_wait3A_61 : memref<!tpu.dma_semaphore, #tpu.memory_space<semaphore_mem>>) src(%dma_wait3A_67 : memref<32x512xi32, #tpu.memory_space<hbm>>) dst(%dma_wait3A_65 : memref<32x512xi32, #tpu.memory_space<vmem>>)
    %parallel_loop3A = arith.constant 0 : i32
    %parallel_loop3A_68 = arith.constant 1024 : i32
    %parallel_loop3A_69 = arith.constant 1 : i32
    %parallel_loop3A_70 = scf.for %parallel_loop3A_74 = %parallel_loop3A to %parallel_loop3A_68 step %parallel_loop3A_69 iter_args(%parallel_loop3A_75 = %broadcast_in_dim3A_36) -> (vector<16xf32>)  : i32 {
      %parallel_loop3A_76 = arith.constant 5 : i32
      %parallel_loop3A_77 = arith.shrsi %parallel_loop3A_74, %parallel_loop3A_76 : i32
      %parallel_loop3A_78 = arith.constant 31 : i32
      %parallel_loop3A_79 = arith.andi %parallel_loop3A_74, %parallel_loop3A_78 : i32
      %parallel_loop3A_80 = arith.constant 16 : i32
      %parallel_loop3A_81 = arith.muli %parallel_loop3A_79, %parallel_loop3A_80 : i32
      %parallel_loop3A_82 = arith.constant 0 : i32
      %parallel_loop3A_83 = arith.index_cast %parallel_loop3A_82 : i32 to index
      %parallel_loop3A_84 = arith.index_cast %parallel_loop3A_77 : i32 to index
      %parallel_loop3A_85 = arith.index_cast %parallel_loop3A_81 : i32 to index
      %parallel_loop3A_86 = tpu.vector_load %arg5[%parallel_loop3A_83, %parallel_loop3A_84, %parallel_loop3A_85] {strides = array<i32>} : memref<2x32x512xf32, #tpu.memory_space<vmem>>, vector<1x1x16xf32>,
      %parallel_loop3A_87 = vector.shape_cast %parallel_loop3A_86 : vector<1x1x16xf32> to vector<16xf32>
      %parallel_loop3A_88 = arith.constant 0 : i32
      %parallel_loop3A_89 = arith.index_cast %parallel_loop3A_88 : i32 to index
      %parallel_loop3A_90 = arith.index_cast %parallel_loop3A_77 : i32 to index
      %parallel_loop3A_91 = arith.index_cast %parallel_loop3A_81 : i32 to index
      %parallel_loop3A_92 = tpu.vector_load %arg6[%parallel_loop3A_89, %parallel_loop3A_90, %parallel_loop3A_91] {strides = array<i32>} : memref<2x32x512xi32, #tpu.memory_space<vmem>>, vector<1x1x16xi32>,
      %parallel_loop3A_93 = vector.shape_cast %parallel_loop3A_92 : vector<1x1x16xi32> to vector<16xi32>
      %parallel_loop3A_94 = tpu.bitcast %parallel_loop3A_87 : vector<16xf32> -> vector<16xi32>
      %parallel_loop3A_95 = arith.constant 2147483647 : i32
      %parallel_loop3A_96 = vector.broadcast %parallel_loop3A_95 : i32 to vector<16xi32>
      %parallel_loop3A_97 = arith.andi %parallel_loop3A_94, %parallel_loop3A_96 : vector<16xi32>
      %parallel_loop3A_98 = tpu.bitcast %parallel_loop3A_97 : vector<16xi32> -> vector<16xf32>
      %parallel_loop3A_99 = arith.constant -2147483648 : i32
      %parallel_loop3A_100 = vector.broadcast %parallel_loop3A_99 : i32 to vector<16xi32>
      %parallel_loop3A_101 = arith.ori %parallel_loop3A_94, %parallel_loop3A_100 : vector<16xi32>
      %parallel_loop3A_102 = tpu.bitcast %parallel_loop3A_101 : vector<16xi32> -> vector<16xf32>
      %parallel_loop3A_103 = math.exp %parallel_loop3A_102 : vector<16xf32>
      %parallel_loop3A_104 = arith.constant 31 : i32
      %parallel_loop3A_105 = vector.broadcast %parallel_loop3A_104 : i32 to vector<16xi32>
      %parallel_loop3A_106 = arith.shli %parallel_loop3A_93, %parallel_loop3A_105 : vector<16xi32>
      %parallel_loop3A_107 = arith.xori %parallel_loop3A_94, %parallel_loop3A_106 : vector<16xi32>
      %parallel_loop3A_108 = arith.constant 0 : i32
      %parallel_loop3A_109 = vector.broadcast %parallel_loop3A_108 : i32 to vector<16xi32>
      %parallel_loop3A_110 = arith.cmpi sge, %parallel_loop3A_107, %parallel_loop3A_109 : vector<16xi32>
      %parallel_loop3A_111 = arith.constant -0.0543709323 : f32
      %parallel_loop3A_112 = vector.broadcast %parallel_loop3A_111 : f32 to vector<16xf32>
      %parallel_loop3A_113 = arith.mulf %parallel_loop3A_112, %parallel_loop3A_103 : vector<16xf32>
      %parallel_loop3A_114 = arith.constant 0.216448709 : f32
      %parallel_loop3A_115 = vector.broadcast %parallel_loop3A_114 : f32 to vector<16xf32>
      %parallel_loop3A_116 = arith.addf %parallel_loop3A_113, %parallel_loop3A_115 : vector<16xf32>
      %parallel_loop3A_117 = arith.mulf %parallel_loop3A_116, %parallel_loop3A_103 : vector<16xf32>
      %parallel_loop3A_118 = arith.constant -0.465020448 : f32
      %parallel_loop3A_119 = vector.broadcast %parallel_loop3A_118 : f32 to vector<16xf32>
      %parallel_loop3A_120 = arith.addf %parallel_loop3A_117, %parallel_loop3A_119 : vector<16xf32>
      %parallel_loop3A_121 = arith.mulf %parallel_loop3A_120, %parallel_loop3A_103 : vector<16xf32>
      %parallel_loop3A_122 = arith.constant 0.995965778 : f32
      %parallel_loop3A_123 = vector.broadcast %parallel_loop3A_122 : f32 to vector<16xf32>
      %parallel_loop3A_124 = arith.addf %parallel_loop3A_121, %parallel_loop3A_123 : vector<16xf32>
      %parallel_loop3A_125 = arith.mulf %parallel_loop3A_124, %parallel_loop3A_103 : vector<16xf32>
      %parallel_loop3A_126 = arith.constant 7.94207735E-5 : f32
      %parallel_loop3A_127 = vector.broadcast %parallel_loop3A_126 : f32 to vector<16xf32>
      %parallel_loop3A_128 = arith.addf %parallel_loop3A_125, %parallel_loop3A_127 : vector<16xf32>
      %parallel_loop3A_129 = arith.addf %parallel_loop3A_98, %parallel_loop3A_128 : vector<16xf32>
      %parallel_loop3A_130 = arith.mulf %parallel_loop3A_103, %parallel_loop3A_103 : vector<16xf32>
      %parallel_loop3A_131 = arith.mulf %parallel_loop3A_130, %parallel_loop3A_128 : vector<16xf32>
      %parallel_loop3A_132 = arith.select %parallel_loop3A_110, %parallel_loop3A_129, %parallel_loop3A_131 : vector<16xi1>, vector<16xf32>
      %parallel_loop3A_133 = arith.constant 1.000000e+00 : f32
      %parallel_loop3A_134 = vector.broadcast %parallel_loop3A_133 : f32 to vector<16xf32>
      %parallel_loop3A_135 = arith.addf %parallel_loop3A_134, %parallel_loop3A_103 : vector<16xf32>
      %parallel_loop3A_136 = arith.constant 1.000000e+00 : f32
      %parallel_loop3A_137 = vector.broadcast %parallel_loop3A_136 : f32 to vector<16xf32>
      %parallel_loop3A_138 = arith.divf %parallel_loop3A_137, %parallel_loop3A_135 : vector<16xf32>
      %parallel_loop3A_139 = arith.mulf %parallel_loop3A_132, %parallel_loop3A_138 : vector<16xf32>
      %parallel_loop3A_140 = arith.mulf %parallel_loop3A_139, %parallel_loop3A_138 : vector<16xf32>
      %parallel_loop3A_141 = arith.addf %parallel_loop3A_75, %parallel_loop3A_140 : vector<16xf32>
      scf.yield %parallel_loop3A_141 : vector<16xf32>
    } {sc.loop_unroll_factor = 4 : i64, sc.parallel_access}
    %swap3A = arith.constant 0 : index
    %swap3A_71 = tpu.vector_load %arg7[%swap3A] {strides = array<i32>} : memref<16xf32, #tpu.memory_space<vmem>>, vector<16xf32>,
    %swap3A_72 = vector.shape_cast %swap3A_71 : vector<16xf32> to vector<16xf32>
    %swap3A_73 = vector.shape_cast %parallel_loop3A_70 : vector<16xf32> to vector<16xf32>
    tpu.vector_store %arg7[%swap3A], %swap3A_73 {strides = array<i32>} : memref<16xf32, #tpu.memory_space<vmem>>, vector<16xf32>,
    "tpu.region"() ({
      %run_scoped3A = tpu.sem_alloc : memref<!tpu.dma_semaphore, #tpu.memory_space<semaphore_mem>>
      %dma_start3A_74 = arith.constant 0 : i32
      %dma_start3A_75 = tpu.memref_slice %arg4[%add3A, %dma_start3A_74] : memref<32x16xf32, #tpu.memory_space<hbm>> -> memref<1x16xf32, #tpu.memory_space<hbm>>
      %dma_start3A_76 = tpu.memref_squeeze %dma_start3A_75 : memref<1x16xf32, #tpu.memory_space<hbm>> -> memref<16xf32, #tpu.memory_space<hbm>>
      %dma_start3A_77 = arith.constant 0 : i32
      %dma_start3A_78 = tpu.memref_slice %arg4[%add3A, %dma_start3A_77] : memref<32x16xf32, #tpu.memory_space<hbm>> -> memref<1x16xf32, #tpu.memory_space<hbm>>
      %dma_start3A_79 = tpu.memref_squeeze %dma_start3A_78 : memref<1x16xf32, #tpu.memory_space<hbm>> -> memref<16xf32, #tpu.memory_space<hbm>>
      tpu.enqueue_dma source(%arg7 : memref<16xf32, #tpu.memory_space<vmem>>) target(%dma_start3A_79 : memref<16xf32, #tpu.memory_space<hbm>>) target_semaphore(%run_scoped3A : memref<!tpu.dma_semaphore, #tpu.memory_space<semaphore_mem>>)
      %dma_wait3A_80 = arith.constant 0 : i32
      %dma_wait3A_81 = tpu.memref_slice %arg4[%add3A, %dma_wait3A_80] : memref<32x16xf32, #tpu.memory_space<hbm>> -> memref<1x16xf32, #tpu.memory_space<hbm>>
      %dma_wait3A_82 = tpu.memref_squeeze %dma_wait3A_81 : memref<1x16xf32, #tpu.memory_space<hbm>> -> memref<16xf32, #tpu.memory_space<hbm>>
      %dma_wait3A_83 = arith.constant 0 : i32
      %dma_wait3A_84 = tpu.memref_slice %arg4[%add3A, %dma_wait3A_83] : memref<32x16xf32, #tpu.memory_space<hbm>> -> memref<1x16xf32, #tpu.memory_space<hbm>>
      %dma_wait3A_85 = tpu.memref_squeeze %dma_wait3A_84 : memref<1x16xf32, #tpu.memory_space<hbm>> -> memref<16xf32, #tpu.memory_space<hbm>>
      tpu.wait_dma2 semaphore(%run_scoped3A : memref<!tpu.dma_semaphore, #tpu.memory_space<semaphore_mem>>) src(%arg7 : memref<16xf32, #tpu.memory_space<vmem>>) dst(%dma_wait3A_85 : memref<16xf32, #tpu.memory_space<hbm>>)
      tpu.yield
    }) : () -> ()
    return
  }
}

module attributes {stable_mosaic.version = 14 : i64} {
  func.func @_focal_tc_body(%arg0: i32, %arg1: memref<512x512xf32, #tpu.memory_space<vmem>>, %arg2: memref<512x512xi32, #tpu.memory_space<vmem>>, %arg3: memref<1x1xf32, #tpu.memory_space<vmem>>) attributes {dimension_semantics = [#tpu.dimension_semantics<arbitrary>], iteration_bounds = array<i64: 6>, scalar_prefetch = 0 : i64, scratch_operands = 0 : i64, tpu.core_type = #tpu.core_type<tc>, window_params = [{transform_indices = @transform_0, window_bounds = array<i64: 512, 512>}, {transform_indices = @transform_1, window_bounds = array<i64: 512, 512>}, {pipeline_mode = #tpu.pipeline_mode<synchronous>, transform_indices = @transform_2, window_bounds = array<i64: 1, 1>}]} {
    %broadcast_in_dim3A = arith.constant 0.000000e+00 : f32
    %broadcast_in_dim3A_0 = vector.broadcast %broadcast_in_dim3A : f32 to vector<8x512xf32>
    %scan3A = arith.constant 0 : i32
    %scan3A_1 = arith.constant 16 : i32
    %scan3A_2 = arith.addi %scan3A, %scan3A_1 : i32
    %scan3A_3 = arith.constant 1 : i32
    %scan3A_4 = scf.for %scan3A_16 = %scan3A to %scan3A_2 step %scan3A_3 iter_args(%scan3A_17 = %broadcast_in_dim3A_0) -> (vector<8x512xf32>)  : i32 {
      %mul3A = arith.constant 32 : i32
      %mul3A_18 = arith.muli %scan3A_16, %mul3A : i32
      %add3A_19 = arith.constant 0 : i32
      %add3A_20 = arith.addi %mul3A_18, %add3A_19 : i32
      %get3A_21 = arith.index_cast %add3A_20 : i32 to index
      %get3A_22 = arith.constant 0 : index
      %get3A_23 = vector.load %arg1[%get3A_21, %get3A_22] : memref<512x512xf32, #tpu.memory_space<vmem>>, vector<8x512xf32>
      %get3A_24 = arith.index_cast %add3A_20 : i32 to index
      %get3A_25 = arith.constant 0 : index
      %get3A_26 = vector.load %arg2[%get3A_24, %get3A_25] : memref<512x512xi32, #tpu.memory_space<vmem>>, vector<8x512xi32>
      %bitcast_convert_type3A = tpu.bitcast %get3A_23 : vector<8x512xf32> -> vector<8x512xi32>
      %and3A = arith.constant 2147483647 : i32
      %and3A_27 = vector.broadcast %and3A : i32 to vector<8x512xi32>
      %and3A_28 = arith.andi %bitcast_convert_type3A, %and3A_27 : vector<8x512xi32>
      %bitcast_convert_type3A_29 = tpu.bitcast %and3A_28 : vector<8x512xi32> -> vector<8x512xf32>
      %or3A = arith.constant -2147483648 : i32
      %or3A_30 = vector.broadcast %or3A : i32 to vector<8x512xi32>
      %or3A_31 = arith.ori %bitcast_convert_type3A, %or3A_30 : vector<8x512xi32>
      %bitcast_convert_type3A_32 = tpu.bitcast %or3A_31 : vector<8x512xi32> -> vector<8x512xf32>
      %exp3A = math.exp %bitcast_convert_type3A_32 : vector<8x512xf32>
      %shift_left3A = arith.constant 31 : i32
      %shift_left3A_33 = vector.broadcast %shift_left3A : i32 to vector<8x512xi32>
      %shift_left3A_34 = arith.shli %get3A_26, %shift_left3A_33 : vector<8x512xi32>
      %xor3A = arith.xori %bitcast_convert_type3A, %shift_left3A_34 : vector<8x512xi32>
      %ge3A = arith.constant 0 : i32
      %ge3A_35 = vector.broadcast %ge3A : i32 to vector<8x512xi32>
      %ge3A_36 = arith.cmpi sge, %xor3A, %ge3A_35 : vector<8x512xi32>
      %broadcast_in_dim3A_37 = arith.constant -0.0543709323 : f32
      %broadcast_in_dim3A_38 = vector.broadcast %broadcast_in_dim3A_37 : f32 to vector<8x512xf32>
      %mul3A_39 = arith.mulf %broadcast_in_dim3A_38, %exp3A : vector<8x512xf32>
      %add3A_40 = arith.constant 0.216448709 : f32
      %add3A_41 = vector.broadcast %add3A_40 : f32 to vector<8x512xf32>
      %add3A_42 = arith.addf %mul3A_39, %add3A_41 : vector<8x512xf32>
      %mul3A_43 = arith.mulf %add3A_42, %exp3A : vector<8x512xf32>
      %add3A_44 = arith.constant -0.465020448 : f32
      %add3A_45 = vector.broadcast %add3A_44 : f32 to vector<8x512xf32>
      %add3A_46 = arith.addf %mul3A_43, %add3A_45 : vector<8x512xf32>
      %mul3A_47 = arith.mulf %add3A_46, %exp3A : vector<8x512xf32>
      %add3A_48 = arith.constant 0.995965778 : f32
      %add3A_49 = vector.broadcast %add3A_48 : f32 to vector<8x512xf32>
      %add3A_50 = arith.addf %mul3A_47, %add3A_49 : vector<8x512xf32>
      %mul3A_51 = arith.mulf %add3A_50, %exp3A : vector<8x512xf32>
      %add3A_52 = arith.constant 7.94207735E-5 : f32
      %add3A_53 = vector.broadcast %add3A_52 : f32 to vector<8x512xf32>
      %add3A_54 = arith.addf %mul3A_51, %add3A_53 : vector<8x512xf32>
      %add3A_55 = arith.addf %bitcast_convert_type3A_29, %add3A_54 : vector<8x512xf32>
      %mul3A_56 = arith.mulf %exp3A, %exp3A : vector<8x512xf32>
      %mul3A_57 = arith.mulf %mul3A_56, %add3A_54 : vector<8x512xf32>
      %select_n3A = arith.select %ge3A_36, %add3A_55, %mul3A_57 : vector<8x512xi1>, vector<8x512xf32>
      %add3A_58 = arith.constant 1.000000e+00 : f32
      %add3A_59 = vector.broadcast %add3A_58 : f32 to vector<8x512xf32>
      %add3A_60 = arith.addf %add3A_59, %exp3A : vector<8x512xf32>
      %div3A = arith.constant 1.000000e+00 : f32
      %div3A_61 = vector.broadcast %div3A : f32 to vector<8x512xf32>
      %div3A_62 = arith.divf %div3A_61, %add3A_60 : vector<8x512xf32>
      %mul3A_63 = arith.mulf %select_n3A, %div3A_62 : vector<8x512xf32>
      %mul3A_64 = arith.mulf %mul3A_63, %div3A_62 : vector<8x512xf32>
      %add3A_65 = arith.addf %scan3A_17, %mul3A_64 : vector<8x512xf32>
      %mul3A_66 = arith.constant 32 : i32
      %mul3A_67 = arith.muli %scan3A_16, %mul3A_66 : i32
      %add3A_68 = arith.constant 8 : i32
      %add3A_69 = arith.addi %mul3A_67, %add3A_68 : i32
      %get3A_70 = arith.index_cast %add3A_69 : i32 to index
      %get3A_71 = arith.constant 0 : index
      %get3A_72 = vector.load %arg1[%get3A_70, %get3A_71] : memref<512x512xf32, #tpu.memory_space<vmem>>, vector<8x512xf32>
      %get3A_73 = arith.index_cast %add3A_69 : i32 to index
      %get3A_74 = arith.constant 0 : index
      %get3A_75 = vector.load %arg2[%get3A_73, %get3A_74] : memref<512x512xi32, #tpu.memory_space<vmem>>, vector<8x512xi32>
      %bitcast_convert_type3A_76 = tpu.bitcast %get3A_72 : vector<8x512xf32> -> vector<8x512xi32>
      %and3A_77 = arith.constant 2147483647 : i32
      %and3A_78 = vector.broadcast %and3A_77 : i32 to vector<8x512xi32>
      %and3A_79 = arith.andi %bitcast_convert_type3A_76, %and3A_78 : vector<8x512xi32>
      %bitcast_convert_type3A_80 = tpu.bitcast %and3A_79 : vector<8x512xi32> -> vector<8x512xf32>
      %or3A_81 = arith.constant -2147483648 : i32
      %or3A_82 = vector.broadcast %or3A_81 : i32 to vector<8x512xi32>
      %or3A_83 = arith.ori %bitcast_convert_type3A_76, %or3A_82 : vector<8x512xi32>
      %bitcast_convert_type3A_84 = tpu.bitcast %or3A_83 : vector<8x512xi32> -> vector<8x512xf32>
      %exp3A_85 = math.exp %bitcast_convert_type3A_84 : vector<8x512xf32>
      %shift_left3A_86 = arith.constant 31 : i32
      %shift_left3A_87 = vector.broadcast %shift_left3A_86 : i32 to vector<8x512xi32>
      %shift_left3A_88 = arith.shli %get3A_75, %shift_left3A_87 : vector<8x512xi32>
      %xor3A_89 = arith.xori %bitcast_convert_type3A_76, %shift_left3A_88 : vector<8x512xi32>
      %ge3A_90 = arith.constant 0 : i32
      %ge3A_91 = vector.broadcast %ge3A_90 : i32 to vector<8x512xi32>
      %ge3A_92 = arith.cmpi sge, %xor3A_89, %ge3A_91 : vector<8x512xi32>
      %broadcast_in_dim3A_93 = arith.constant -0.0543709323 : f32
      %broadcast_in_dim3A_94 = vector.broadcast %broadcast_in_dim3A_93 : f32 to vector<8x512xf32>
      %mul3A_95 = arith.mulf %broadcast_in_dim3A_94, %exp3A_85 : vector<8x512xf32>
      %add3A_96 = arith.constant 0.216448709 : f32
      %add3A_97 = vector.broadcast %add3A_96 : f32 to vector<8x512xf32>
      %add3A_98 = arith.addf %mul3A_95, %add3A_97 : vector<8x512xf32>
      %mul3A_99 = arith.mulf %add3A_98, %exp3A_85 : vector<8x512xf32>
      %add3A_100 = arith.constant -0.465020448 : f32
      %add3A_101 = vector.broadcast %add3A_100 : f32 to vector<8x512xf32>
      %add3A_102 = arith.addf %mul3A_99, %add3A_101 : vector<8x512xf32>
      %mul3A_103 = arith.mulf %add3A_102, %exp3A_85 : vector<8x512xf32>
      %add3A_104 = arith.constant 0.995965778 : f32
      %add3A_105 = vector.broadcast %add3A_104 : f32 to vector<8x512xf32>
      %add3A_106 = arith.addf %mul3A_103, %add3A_105 : vector<8x512xf32>
      %mul3A_107 = arith.mulf %add3A_106, %exp3A_85 : vector<8x512xf32>
      %add3A_108 = arith.constant 7.94207735E-5 : f32
      %add3A_109 = vector.broadcast %add3A_108 : f32 to vector<8x512xf32>
      %add3A_110 = arith.addf %mul3A_107, %add3A_109 : vector<8x512xf32>
      %add3A_111 = arith.addf %bitcast_convert_type3A_80, %add3A_110 : vector<8x512xf32>
      %mul3A_112 = arith.mulf %exp3A_85, %exp3A_85 : vector<8x512xf32>
      %mul3A_113 = arith.mulf %mul3A_112, %add3A_110 : vector<8x512xf32>
      %select_n3A_114 = arith.select %ge3A_92, %add3A_111, %mul3A_113 : vector<8x512xi1>, vector<8x512xf32>
      %add3A_115 = arith.constant 1.000000e+00 : f32
      %add3A_116 = vector.broadcast %add3A_115 : f32 to vector<8x512xf32>
      %add3A_117 = arith.addf %add3A_116, %exp3A_85 : vector<8x512xf32>
      %div3A_118 = arith.constant 1.000000e+00 : f32
      %div3A_119 = vector.broadcast %div3A_118 : f32 to vector<8x512xf32>
      %div3A_120 = arith.divf %div3A_119, %add3A_117 : vector<8x512xf32>
      %mul3A_121 = arith.mulf %select_n3A_114, %div3A_120 : vector<8x512xf32>
      %mul3A_122 = arith.mulf %mul3A_121, %div3A_120 : vector<8x512xf32>
      %add3A_123 = arith.addf %add3A_65, %mul3A_122 : vector<8x512xf32>
      %mul3A_124 = arith.constant 32 : i32
      %mul3A_125 = arith.muli %scan3A_16, %mul3A_124 : i32
      %add3A_126 = arith.constant 16 : i32
      %add3A_127 = arith.addi %mul3A_125, %add3A_126 : i32
      %get3A_128 = arith.index_cast %add3A_127 : i32 to index
      %get3A_129 = arith.constant 0 : index
      %get3A_130 = vector.load %arg1[%get3A_128, %get3A_129] : memref<512x512xf32, #tpu.memory_space<vmem>>, vector<8x512xf32>
      %get3A_131 = arith.index_cast %add3A_127 : i32 to index
      %get3A_132 = arith.constant 0 : index
      %get3A_133 = vector.load %arg2[%get3A_131, %get3A_132] : memref<512x512xi32, #tpu.memory_space<vmem>>, vector<8x512xi32>
      %bitcast_convert_type3A_134 = tpu.bitcast %get3A_130 : vector<8x512xf32> -> vector<8x512xi32>
      %and3A_135 = arith.constant 2147483647 : i32
      %and3A_136 = vector.broadcast %and3A_135 : i32 to vector<8x512xi32>
      %and3A_137 = arith.andi %bitcast_convert_type3A_134, %and3A_136 : vector<8x512xi32>
      %bitcast_convert_type3A_138 = tpu.bitcast %and3A_137 : vector<8x512xi32> -> vector<8x512xf32>
      %or3A_139 = arith.constant -2147483648 : i32
      %or3A_140 = vector.broadcast %or3A_139 : i32 to vector<8x512xi32>
      %or3A_141 = arith.ori %bitcast_convert_type3A_134, %or3A_140 : vector<8x512xi32>
      %bitcast_convert_type3A_142 = tpu.bitcast %or3A_141 : vector<8x512xi32> -> vector<8x512xf32>
      %exp3A_143 = math.exp %bitcast_convert_type3A_142 : vector<8x512xf32>
      %shift_left3A_144 = arith.constant 31 : i32
      %shift_left3A_145 = vector.broadcast %shift_left3A_144 : i32 to vector<8x512xi32>
      %shift_left3A_146 = arith.shli %get3A_133, %shift_left3A_145 : vector<8x512xi32>
      %xor3A_147 = arith.xori %bitcast_convert_type3A_134, %shift_left3A_146 : vector<8x512xi32>
      %ge3A_148 = arith.constant 0 : i32
      %ge3A_149 = vector.broadcast %ge3A_148 : i32 to vector<8x512xi32>
      %ge3A_150 = arith.cmpi sge, %xor3A_147, %ge3A_149 : vector<8x512xi32>
      %broadcast_in_dim3A_151 = arith.constant -0.0543709323 : f32
      %broadcast_in_dim3A_152 = vector.broadcast %broadcast_in_dim3A_151 : f32 to vector<8x512xf32>
      %mul3A_153 = arith.mulf %broadcast_in_dim3A_152, %exp3A_143 : vector<8x512xf32>
      %add3A_154 = arith.constant 0.216448709 : f32
      %add3A_155 = vector.broadcast %add3A_154 : f32 to vector<8x512xf32>
      %add3A_156 = arith.addf %mul3A_153, %add3A_155 : vector<8x512xf32>
      %mul3A_157 = arith.mulf %add3A_156, %exp3A_143 : vector<8x512xf32>
      %add3A_158 = arith.constant -0.465020448 : f32
      %add3A_159 = vector.broadcast %add3A_158 : f32 to vector<8x512xf32>
      %add3A_160 = arith.addf %mul3A_157, %add3A_159 : vector<8x512xf32>
      %mul3A_161 = arith.mulf %add3A_160, %exp3A_143 : vector<8x512xf32>
      %add3A_162 = arith.constant 0.995965778 : f32
      %add3A_163 = vector.broadcast %add3A_162 : f32 to vector<8x512xf32>
      %add3A_164 = arith.addf %mul3A_161, %add3A_163 : vector<8x512xf32>
      %mul3A_165 = arith.mulf %add3A_164, %exp3A_143 : vector<8x512xf32>
      %add3A_166 = arith.constant 7.94207735E-5 : f32
      %add3A_167 = vector.broadcast %add3A_166 : f32 to vector<8x512xf32>
      %add3A_168 = arith.addf %mul3A_165, %add3A_167 : vector<8x512xf32>
      %add3A_169 = arith.addf %bitcast_convert_type3A_138, %add3A_168 : vector<8x512xf32>
      %mul3A_170 = arith.mulf %exp3A_143, %exp3A_143 : vector<8x512xf32>
      %mul3A_171 = arith.mulf %mul3A_170, %add3A_168 : vector<8x512xf32>
      %select_n3A_172 = arith.select %ge3A_150, %add3A_169, %mul3A_171 : vector<8x512xi1>, vector<8x512xf32>
      %add3A_173 = arith.constant 1.000000e+00 : f32
      %add3A_174 = vector.broadcast %add3A_173 : f32 to vector<8x512xf32>
      %add3A_175 = arith.addf %add3A_174, %exp3A_143 : vector<8x512xf32>
      %div3A_176 = arith.constant 1.000000e+00 : f32
      %div3A_177 = vector.broadcast %div3A_176 : f32 to vector<8x512xf32>
      %div3A_178 = arith.divf %div3A_177, %add3A_175 : vector<8x512xf32>
      %mul3A_179 = arith.mulf %select_n3A_172, %div3A_178 : vector<8x512xf32>
      %mul3A_180 = arith.mulf %mul3A_179, %div3A_178 : vector<8x512xf32>
      %add3A_181 = arith.addf %add3A_123, %mul3A_180 : vector<8x512xf32>
      %mul3A_182 = arith.constant 32 : i32
      %mul3A_183 = arith.muli %scan3A_16, %mul3A_182 : i32
      %add3A_184 = arith.constant 24 : i32
      %add3A_185 = arith.addi %mul3A_183, %add3A_184 : i32
      %get3A_186 = arith.index_cast %add3A_185 : i32 to index
      %get3A_187 = arith.constant 0 : index
      %get3A_188 = vector.load %arg1[%get3A_186, %get3A_187] : memref<512x512xf32, #tpu.memory_space<vmem>>, vector<8x512xf32>
      %get3A_189 = arith.index_cast %add3A_185 : i32 to index
      %get3A_190 = arith.constant 0 : index
      %get3A_191 = vector.load %arg2[%get3A_189, %get3A_190] : memref<512x512xi32, #tpu.memory_space<vmem>>, vector<8x512xi32>
      %bitcast_convert_type3A_192 = tpu.bitcast %get3A_188 : vector<8x512xf32> -> vector<8x512xi32>
      %and3A_193 = arith.constant 2147483647 : i32
      %and3A_194 = vector.broadcast %and3A_193 : i32 to vector<8x512xi32>
      %and3A_195 = arith.andi %bitcast_convert_type3A_192, %and3A_194 : vector<8x512xi32>
      %bitcast_convert_type3A_196 = tpu.bitcast %and3A_195 : vector<8x512xi32> -> vector<8x512xf32>
      %or3A_197 = arith.constant -2147483648 : i32
      %or3A_198 = vector.broadcast %or3A_197 : i32 to vector<8x512xi32>
      %or3A_199 = arith.ori %bitcast_convert_type3A_192, %or3A_198 : vector<8x512xi32>
      %bitcast_convert_type3A_200 = tpu.bitcast %or3A_199 : vector<8x512xi32> -> vector<8x512xf32>
      %exp3A_201 = math.exp %bitcast_convert_type3A_200 : vector<8x512xf32>
      %shift_left3A_202 = arith.constant 31 : i32
      %shift_left3A_203 = vector.broadcast %shift_left3A_202 : i32 to vector<8x512xi32>
      %shift_left3A_204 = arith.shli %get3A_191, %shift_left3A_203 : vector<8x512xi32>
      %xor3A_205 = arith.xori %bitcast_convert_type3A_192, %shift_left3A_204 : vector<8x512xi32>
      %ge3A_206 = arith.constant 0 : i32
      %ge3A_207 = vector.broadcast %ge3A_206 : i32 to vector<8x512xi32>
      %ge3A_208 = arith.cmpi sge, %xor3A_205, %ge3A_207 : vector<8x512xi32>
      %broadcast_in_dim3A_209 = arith.constant -0.0543709323 : f32
      %broadcast_in_dim3A_210 = vector.broadcast %broadcast_in_dim3A_209 : f32 to vector<8x512xf32>
      %mul3A_211 = arith.mulf %broadcast_in_dim3A_210, %exp3A_201 : vector<8x512xf32>
      %add3A_212 = arith.constant 0.216448709 : f32
      %add3A_213 = vector.broadcast %add3A_212 : f32 to vector<8x512xf32>
      %add3A_214 = arith.addf %mul3A_211, %add3A_213 : vector<8x512xf32>
      %mul3A_215 = arith.mulf %add3A_214, %exp3A_201 : vector<8x512xf32>
      %add3A_216 = arith.constant -0.465020448 : f32
      %add3A_217 = vector.broadcast %add3A_216 : f32 to vector<8x512xf32>
      %add3A_218 = arith.addf %mul3A_215, %add3A_217 : vector<8x512xf32>
      %mul3A_219 = arith.mulf %add3A_218, %exp3A_201 : vector<8x512xf32>
      %add3A_220 = arith.constant 0.995965778 : f32
      %add3A_221 = vector.broadcast %add3A_220 : f32 to vector<8x512xf32>
      %add3A_222 = arith.addf %mul3A_219, %add3A_221 : vector<8x512xf32>
      %mul3A_223 = arith.mulf %add3A_222, %exp3A_201 : vector<8x512xf32>
      %add3A_224 = arith.constant 7.94207735E-5 : f32
      %add3A_225 = vector.broadcast %add3A_224 : f32 to vector<8x512xf32>
      %add3A_226 = arith.addf %mul3A_223, %add3A_225 : vector<8x512xf32>
      %add3A_227 = arith.addf %bitcast_convert_type3A_196, %add3A_226 : vector<8x512xf32>
      %mul3A_228 = arith.mulf %exp3A_201, %exp3A_201 : vector<8x512xf32>
      %mul3A_229 = arith.mulf %mul3A_228, %add3A_226 : vector<8x512xf32>
      %select_n3A_230 = arith.select %ge3A_208, %add3A_227, %mul3A_229 : vector<8x512xi1>, vector<8x512xf32>
      %add3A_231 = arith.constant 1.000000e+00 : f32
      %add3A_232 = vector.broadcast %add3A_231 : f32 to vector<8x512xf32>
      %add3A_233 = arith.addf %add3A_232, %exp3A_201 : vector<8x512xf32>
      %div3A_234 = arith.constant 1.000000e+00 : f32
      %div3A_235 = vector.broadcast %div3A_234 : f32 to vector<8x512xf32>
      %div3A_236 = arith.divf %div3A_235, %add3A_233 : vector<8x512xf32>
      %mul3A_237 = arith.mulf %select_n3A_230, %div3A_236 : vector<8x512xf32>
      %mul3A_238 = arith.mulf %mul3A_237, %div3A_236 : vector<8x512xf32>
      %add3A_239 = arith.addf %add3A_181, %mul3A_238 : vector<8x512xf32>
      scf.yield %add3A_239 : vector<8x512xf32>
    }
    %scan3A_5 = arith.constant 16 : i32
    %eq3A = arith.constant 0 : i32
    %eq3A_6 = arith.cmpi eq, %arg0, %eq3A : i32
    %convert_element_type3A = arith.extui %eq3A_6 : i1 to i32
    %cond3A = arith.constant 0 : i32
    %cond3A_7 = arith.cmpi ne, %convert_element_type3A, %cond3A : i32
    scf.if %cond3A_7 {
      %broadcast_in_dim3A_16 = arith.constant 0.000000e+00 : f32
      %broadcast_in_dim3A_17 = vector.broadcast %broadcast_in_dim3A_16 : f32 to vector<1x1xf32>
      %swap3A_18 = arith.constant 0 : index
      %swap3A_19 = arith.constant 0 : index
      %swap3A_20 = vector.load %arg3[%swap3A_18, %swap3A_19] : memref<1x1xf32, #tpu.memory_space<vmem>>, vector<1x1xf32>
      tpu.vector_store %arg3[%swap3A_18, %swap3A_19], %broadcast_in_dim3A_17 {strides = array<i32>} : memref<1x1xf32, #tpu.memory_space<vmem>>, vector<1x1xf32>,
    } else {
    }
    %get3A = arith.constant 0 : index
    %get3A_8 = arith.constant 0 : index
    %get3A_9 = vector.load %arg3[%get3A, %get3A_8] : memref<1x1xf32, #tpu.memory_space<vmem>>, vector<1x1xf32>
    %reduce_sum3A = vector.shape_cast %scan3A_4 : vector<8x512xf32> to vector<1x8x512xf32>
    %reduce_sum3A_10 = arith.constant dense<0.000000e+00> : vector<1xf32>
    %reduce_sum3A_11 = vector.multi_reduction <add>, %reduce_sum3A, %reduce_sum3A_10 [1, 2] : vector<1x8x512xf32> to vector<1xf32>
    %reduce_sum3A_12 = vector.shape_cast %reduce_sum3A_11 : vector<1xf32> to vector<1x1x1xf32>
    %reduce_sum3A_13 = vector.extract %reduce_sum3A_12[0, 0, 0] : f32 from vector<1x1x1xf32>
    %reshape3A = vector.broadcast %reduce_sum3A_13 : f32 to vector<1x1xf32>
    %add3A = arith.addf %get3A_9, %reshape3A : vector<1x1xf32>
    %swap3A = arith.constant 0 : index
    %swap3A_14 = arith.constant 0 : index
    %swap3A_15 = vector.load %arg3[%swap3A, %swap3A_14] : memref<1x1xf32, #tpu.memory_space<vmem>>, vector<1x1xf32>
    tpu.vector_store %arg3[%swap3A, %swap3A_14], %add3A {strides = array<i32>} : memref<1x1xf32, #tpu.memory_space<vmem>>, vector<1x1xf32>,
    return
  }
  func.func @transform_0(%arg0: i32) -> (i32, i32) {
    %add3A = arith.constant 2 : i32
    %add3A_0 = arith.addi %arg0, %add3A : i32
    %c0_i32 = arith.constant 0 : i32
    %c0_i32_1 = arith.constant 0 : i32
    return %add3A_0, %c0_i32 : i32, i32
  }
  func.func @transform_1(%arg0: i32) -> (i32, i32) {
    %add3A = arith.constant 2 : i32
    %add3A_0 = arith.addi %arg0, %add3A : i32
    %c0_i32 = arith.constant 0 : i32
    %c0_i32_1 = arith.constant 0 : i32
    return %add3A_0, %c0_i32 : i32, i32
  }
  func.func @transform_2(%arg0: i32) -> (i32, i32) {
    %c0_i32 = arith.constant 0 : i32
    %c0_i32_0 = arith.constant 0 : i32
    %c0_i32_1 = arith.constant 0 : i32
    return %c0_i32, %c0_i32_0 : i32, i32
  }
}

</mosaic_0001>

<sc_bundles>
// kernel: kernel.4.cloned.1.call-start
scs
__scs_entry_jumppad:
0x0: {  	(pc) =	sbr.rel $0x88, $3  }
0x1: {  	(tag) =	ssettag $0x0;
	lr =	simm.s32 $0x1  }
0x2: {  	[smem:$0x3F9F] =	sst lr;
	_ =	strace $0xD0000000  }
0x3: {  	_ = 	snop  }
0x4: {  	_ = 	snop  }
0x5: {  	_ = 	snop  }
0x6: {  	_ = 	snop  }
0x7: {  	_ = 	snop  }
__scs_overlays_trampoline_lowered:
0x8: {  	[smem:$0x3FAE] =	sst s0  }
0x9: {  	[smem:$0x3FAF] =	sst s1  }
0xa: {  	[smem:$0x3FB0] =	sst s2  }
0xb: {  	[smem:$0x3FB1] =	sst s3  }
0xc: {  	[smem:$0x3FB2] =	sst s4  }
0xd: {  	[smem:$0x3FB3] =	sst s5  }
0xe: {  	[smem:$0x3FB4] =	sst s6  }
0xf: {  	[smem:$0x3FB5] =	sst s7  }
0x10: {  	[smem:$0x3FB6] =	sst s8  }
0x11: {  	[smem:$0x3FB7] =	sst s9;
	s0 =	simm.s32 @!p0 $0x0  }
0x12: {  	s1 =	sld [smem:$0x3F9D];
	s0 =	simm.s32 @p0 $0x1  }
0x13: {  	[smem:$0x3FB8] =	sst s0;
	s0 =	simm.s32 @!p1 $0x0  }
0x14: {  	s2 =	sld [smem:$0x3F9C];
	s0 =	simm.s32 @p1 $0x1  }
0x15: {  	[smem:$0x3FB9] =	sst s0;
	s0 =	simm.s32 @!p2 $0x0  }
0x16: {  	s3 =	sld [smem:$0x3FDB];
	s0 =	simm.s32 @p2 $0x1  }
0x17: {  	s4 =	simm.s32 $0x1BF5;
	[smem:$0x3FBB] =	sst s0  }
0x18: {  	s0 =	sld [smem:$0x3F9E];
	_ =	swait.ge [sflag:s4], $0x0  }
0x19: {  	s7 =	sld [smem:$0x3F9F]  }
0x1a: {  	s8 =	sadd.s32 $0xFFFFE003, lr  }
0x1b: {  	s9 =	sadd.s32 $0xFFFFFEF7, lr;
	s5 =	simm.s32 $0xFFFFFFFF;
	p2 =	slt.u32 s8, $0xFFFFF086  }
0x1c: {  	p1 =	slt.u32 s9, $0xF7A;
	s5 =	simm.s32 @!p2 $0x0  }
0x1d: {  	s5 =	simm.s32 @p1 $0x1;
	p0 =	seq.s32 s7, s2  }
0x1e: {  	s7 =	smul.u32 @!p0 $0xF7A, s2;
	p2 =	seq.s32 @!p0 s5, $0x0  }
0x1f: {  	s9 =	smul.u32 $0xF7A, s1;
	s8 =	simm.s32 @!p0 $0x1BF5;
	p2 =	por !p2, p0  }
0x20: {  	[sflag:s8] =	ssyncset.s32 @!p0 $0xFFFFF086;
	s6 =	sadd.s32 @!p0 s3, s7;
	s7 =	simm.s32 @!p0 $0x108  }
0x21: {  	s3 =	sadd.s32 s3, s9;
	s6 =	sadd.s32 @!p0 $0x88, s6;
	s7 =	simm.s32 @p2 $0x1082  }
0x22: {  	[simem:s7], [sflag:s8] =	dma.local @!p0 [hbm:s6], $0xF7A  }
0x23: {  	s9 =	sor.u32 $0xD0000000, s2;
	s6 =	simm.s32 $0x108;
	_ =	swait.ge @!p0 [sflag:s8], $0x0  }
0x24: {  	s3 =	sadd.s32 $0x88, s3;
	s6 =	simm.s32 @!p1 $0x1082;
	[sflag:s4] =	ssyncset.s32 $0xFFFFF086  }
0x25: {  	[simem:s6], [sflag:s4] =	dma.local [hbm:s3], $0xF7A  }
0x26: {  	[smem:$0x3F9F] =	sst s1;
	(tag) =	ssettag s2;
	_ =	strace s9  }
0x27: {  	s1 =	sld [smem:$0x3FAF]  }
0x28: {  	s2 =	sld [smem:$0x3FB0]  }
0x29: {  	s4 =	sld [smem:$0x3FB2]  }
0x2a: {  	p0 =	seq.s32 s5, $0x0;
	s5 =	sld [smem:$0x3FB3]  }
0x2b: {  	s6 =	sld [smem:$0x3FB4]  }
0x2c: {  	s7 =	sld [smem:$0x3FB5]  }
0x2d: {  	s3 =	simm.s32 $0x108;
	s8 =	sld [smem:$0x3FB6]  }
0x2e: {  	s3 =	simm.s32 @!p0 $0x1082;
	s9 =	sld [smem:$0x3FB7]  }
0x2f: {  	lr =	sadd.s32 s0, s3;
	s0 =	sld [smem:$0x3FAE]  }
0x30: {  	s3 =	sld [smem:$0x3FB1]  }
0x31: {  	[smem:$0x3FBA] =	sst s10  }
0x32: {  	s10 =	sld [smem:$0x3FB8];
	_ =	sdelay $0x3  }
0x33: {  	p0 =	seq.s32 s10, $0x1;
	s10 =	sld [smem:$0x3FBA];
	_ =	sdelay $0x3  }
0x34: {  	[smem:$0x3FBA] =	sst s10  }
0x35: {  	s10 =	sld [smem:$0x3FB9];
	_ =	sdelay $0x3  }
0x36: {  	p1 =	seq.s32 s10, $0x1;
	s10 =	sld [smem:$0x3FBA];
	_ =	sdelay $0x3  }
0x37: {  	[smem:$0x3FBA] =	sst s10  }
0x38: {  	s10 =	sld [smem:$0x3FBB]  }
0x39: {  	_ = 	snop;
	(pc) =	sbr.ind lr, $3  }
0x3a: {  	_ = 	snop  }
0x3b: {  	_ = 	snop  }
0x3c: {  	p2 =	seq.s32 s10, $0x1;
	s10 =	sld [smem:$0x3FBA]  }
0x3d: {  	_ =	shalt  }
0x3e: {  	_ =	shalt  }
0x3f: {  	_ =	shalt  }
0x40: {  	_ =	shalt  }
0x41: {  	_ =	shalt  }
0x42: {  	_ =	shalt  }
0x43: {  	_ =	shalt  }
0x44: {  	_ =	shalt  }
0x45: {  	_ =	shalt  }
0x46: {  	_ =	shalt  }
0x47: {  	_ =	shalt  }
0x48: {  	_ =	shalt  }
0x49: {  	_ =	shalt  }
0x4a: {  	_ =	shalt  }
0x4b: {  	_ =	shalt  }
0x4c: {  	_ =	shalt  }
0x4d: {  	_ =	shalt  }
0x4e: {  	_ =	shalt  }
0x4f: {  	_ =	shalt  }
0x50: {  	_ =	shalt  }
0x51: {  	_ =	shalt  }
0x52: {  	_ =	shalt  }
0x53: {  	_ =	shalt  }
0x54: {  	_ =	shalt  }
0x55: {  	_ =	shalt  }
0x56: {  	_ =	shalt  }
0x57: {  	_ =	shalt  }
0x58: {  	_ =	shalt  }
0x59: {  	_ =	shalt  }
0x5a: {  	_ =	shalt  }
0x5b: {  	_ =	shalt  }
0x5c: {  	_ =	shalt  }
0x5d: {  	_ =	shalt  }
0x5e: {  	_ =	shalt  }
0x5f: {  	_ =	shalt  }
0x60: {  	_ =	shalt  }
0x61: {  	_ =	shalt  }
0x62: {  	_ =	shalt  }
0x63: {  	_ =	shalt  }
0x64: {  	_ =	shalt  }
0x65: {  	_ =	shalt  }
0x66: {  	_ =	shalt  }
0x67: {  	_ =	shalt  }
0x68: {  	_ =	shalt  }
0x69: {  	_ =	shalt  }
0x6a: {  	_ =	shalt  }
0x6b: {  	_ =	shalt  }
0x6c: {  	_ =	shalt  }
0x6d: {  	_ =	shalt  }
0x6e: {  	_ =	shalt  }
0x6f: {  	_ =	shalt  }
0x70: {  	_ =	shalt  }
0x71: {  	_ =	shalt  }
0x72: {  	_ =	shalt  }
0x73: {  	_ =	shalt  }
0x74: {  	_ =	shalt  }
0x75: {  	_ =	shalt  }
0x76: {  	_ =	shalt  }
0x77: {  	_ =	shalt  }
0x78: {  	_ =	shalt  }
0x79: {  	_ =	shalt  }
0x7a: {  	_ =	shalt  }
0x7b: {  	_ =	shalt  }
0x7c: {  	_ =	shalt  }
0x7d: {  	_ =	shalt  }
0x7e: {  	_ =	shalt  }
0x7f: {  	_ =	shalt  }
0x80: {  	_ =	shalt  }
0x81: {  	_ =	shalt  }
0x82: {  	_ =	shalt  }
0x83: {  	_ =	shalt  }
0x84: {  	_ =	shalt  }
0x85: {  	_ =	shalt  }
0x86: {  	_ =	shalt  }
0x87: {  	_ =	shalt  }
.Lfunc_end0:
.L_simem_size_0:
called_computation_lowered:
.L_overlay_start_0:
0x88: {  	s2 =	sld [smem:$0x3FD9]  }
0x89: {  	s3 =	sld [smem:$0x3FFE];
	_ =	sdelay $0x1  }
0x8a: {  	s1 =	srdreg.scid  }
0x8b: {  	s0 =	sand.u32 $0x1, s1  }
0x8c: {  	s17 =	sshll.u32 s0, $0xA;
	s2 =	sadd.s32 s3, s2  }
0x8d: {  	s2 =	sadd.s32 s2, s17  }
0x8e: {  	[smem:$0x3FC6] =	sst s2  }
0x8f: {  	_ = 	snop  }
0x90: {  	s2 =	sld [smem:$0x3FC9]  }
0x91: {  	s18 =	sld [smem:$0x3FC8];
	(tm) =	ssettm $0x1  }
0x92: {  	s4 =	sld [smem:$0x3FFB];
	_ =	sdelay $0x3  }
0x93: {  	_ =	strace s4  }
0x94: {  	s4 =	sld [smem:$0x3FFC];
	_ =	sdelay $0x3  }
0x95: {  	_ =	strace s4  }
0x96: {  	s4 =	sld [smem:$0x3FFD];
	_ =	sdelay $0x3  }
0x97: {  	_ =	strace s4  }
0x98: {  	_ =	strace $0x8FFFFFFF  }
0x99: {  	s19 =	sld [smem:$0x3FDB];
	_ =	sdelay $0x1  }
0x9a: {  	s5 =	simm.s32 $_scs_section_size  }
0x9b: {  	s6 =	simm.s32 $_size__tile_overlayer_lowered;
	s7 =	simm.s32 $_tile_overlayer_lowered  }
0x9c: {  	s22 =	simm.s32 $0x1BFF;
	s21 =	sshll.u32 s7, $0x1;
	s4 =	sadd.s32 s5, s19  }
0x9d: {  	s8 =	simm.s32 $0x0;
	s20 =	sshll.u32 s6, $0x1;
	s6 =	sadd.s32 s21, s4  }
0x9e: {  	[timem:s8], [sflag:s22] =	dma.local [hbm:s6], s20  }
0x9f: {  	_ =	swait.ge [sflag:s22], s20  }
0xa0: {  	s5 =	ssub.s32 $0x0, s20;
	[sflag:s22] =	ssyncset.done $0x0  }
0xa1: {  	[sflag:s22] =	ssyncadd.s32 s5;
	_ =	sdelay $0x1  }
0xa2: {  	s23 =	simm.s32 $0x1B8B  }
0xa3: {  	_ =	swait.ge [sflag:s23], $0x1  }
0xa4: {  	[sflag:s23] =	ssyncset.done $0x0  }
0xa5: {  	s25 =	simm.s32 $0x1B8E;
	s24 =	sld [smem:$0x3FFE];
	[sflag:s23] =	ssyncadd.s32 $0xFFFFFFFF  }
0xa6: {  	s26 =	simm.s32 $execute0_lowered;
	[smem:$0x3FD2] =	sst s25  }
0xa7: {  	s6 =	sshll.u32 s26, $0x1;
	_ =	strace $0x80000046;
	[dreg:$0x1] =	wrdreg $0xFFFFFFFF  }
0xa8: {  	s28 =	simm.s32 $_size_execute0_lowered;
	s4 =	sadd.s32 s4, s6;
	[dreg:$0x0] =	wrdreg $0x0  }
0xa9: {  	s6 =	sshll.u32 s28, $0x1;
	[dreg:$0x2] =	wrdreg s4  }
0xaa: {  	[dreg:$0x3] =	wrdreg s6  }
0xab: {  	[dreg:$0x4] =	wrdreg $0xC0  }
0xac: {  	_ =	task [dreg:s8], $0x5FFFF  }
0xad: {  	[dreg:$0x1] =	wrdreg $0xFFFFFFFF  }
0xae: {  	[dreg:$0x0] =	wrdreg $0x60  }
0xaf: {  	[dreg:$0x2] =	wrdreg s2  }
0xb0: {  	[dreg:$0x3] =	wrdreg s18  }
0xb1: {  	[dreg:$0x4] =	wrdreg s24  }
0xb2: {  	[dreg:$0x5] =	wrdreg $0x9  }
0xb3: {  	_ =	task.clear_ibuf [dreg:s8], $0x6FFFF;
	_ =	strace $0x90000046  }
0xb4: {  	s29 =	simm.s32 $0x9;
	_ =	strace $0x80000048  }
0xb5: {  	_ =	swait.ge [sflag:s29], $0x1  }
0xb6: {  	[sflag:s29] =	ssyncadd.s32 $0xFFFFFFFF  }
0xb7: {  	_ =	strace $0x90000048  }
0xb8: {  	_ =	sfence  }
0xb9: {  	s30 =	sld [smem:$0x0];
	_ =	sdelay $0x2  }
0xba: {  	s31 =	sshll.u32 s1, $0xD;
	s1 =	sshrl.u32 s1, $0x2  }
0xbb: {  	s3 =	sand.u32 $0x4000, s31;
	s1 =	sadd.s32 s1, s30  }
0xbc: {  	s0 =	sor.u32 s3, s0;
	s1 =	sshll.u32 s1, $0x11  }
0xbd: {  	s0 =	sor.u32 s1, s0  }
0xbe: {  	s0 =	sadd.s32 $0x8F2B, s0  }
0xbf: {  	[sflag:s0] =	ssyncadd.remote.s32 $0x1  }
0xc0: {  	_ =	sfence.sel $0xFFFF  }
0xc1: {  	[dreg:$0x0] =	wrdreg $0xFFFFFFFF;
	(pc) =	sbr.abs _section_cstart, $3  }
0xc2: {  	[dreg:$0x1] =	wrdreg $0xFFFFFFFF  }
0xc3: {  	_ =	task.clear_ibuf [dreg:s8], $0x2FFFF;
	_ =	strace $0x9FFFFFFF  }
0xc4: {  	(tm) =	ssettm $0x7FFFFFFF  }
0xc5: {  	_ =	shalt  }
tec
execute0_lowered:
.L_overlay_start_1:
0x0: {  	(tag) =	ssettag $0x1  }
0x1: {  	s3 =	rddreg [dreg:$0x0]  }
0x2: {  	s4 =	rddreg [dreg:$0x1]  }
0x3: {  	s5 =	rddreg [dreg:$0x2]  }
0x4: {  	s0 =	rddreg [dreg:$0x3]  }
0x5: {  	s2 =	simm.s32 $0x0;
	s6 =	srdreg.scid;
	s1 =	stileid.u32  }
0x6: {  	s10 =	simm.s32 $0x10000;
	s11 =	simm.s32 $0x5;
	s12 =	simm.s32 $0x0  }
0x7: {  	[smem:$0x7FF] =	sst s2;
	s6 =	sand.u32 $0x1, s6;
	s7 =	sshll.u32 s1, $0x1  }
0x8: {  	_ =	strace $0x80000047;
	s7 =	sor.u32 s6, s7;
	s6 =	ssub.s32 $0x2, s6  }
0x9: {  	s8 =	sshll.u32 s7, $0x4;
	s9 =	sshrl.u32 s6, $0x1;
	s7 =	sshll.u32 s7, $0xB  }
0xa: {  	s5 =	sadd.s32 s8, s5;
	s6 =	ssub.s32 s6, s9;
	s3 =	sadd.s32 s3, s7  }
0xb: {  	s4 =	sadd.s32 s4, s7;
	s7 =	simm.s32 $0x8000;
	s8 =	simm.s32 $0x1  }
0xc: {  	s9 =	simm.s32 $0x3;
	s5 =	sadd.s32 $0x400, s5;
	s6 =	smax.u32 s6, $0x1  }
.LBB2_1:
0xd: {  	[tilespmem:s2], [sflag:$0x1] =	stream.linear.gather [hbm4b:s3+s2], $0x4000, $0x38;
	[tilespmem:$0x10080] =	vst v63  }
0xe: {  	_ = 	snop  }
0xf: {  	[tilespmem:s7], [sflag:$0x3] =	stream.linear.gather [hbm4b:s4+s2], $0x4000, $0x38;
	[tilespmem:$0x10080] =	vst v63  }
0x10: {  	_ =	swait.ge [sflag:s8], $0x4000  }
0x11: {  	s13 =	sand.u32 $0x70, s2;
	s14 =	simm.s32 $0x0;
	[sflag:s8] =	ssyncset.done $0x0  }
0x12: {  	s15 =	sand.u32 $0xC00, s2;
	s16 =	simm.s32 $0x0;
	[sflag:s8] =	ssyncadd.s32 $0xFFFFC000  }
0x13: {  	s14 =	sand.u32 $0x3000, s14;
	s13 =	sor.u32 s15, s13;
	_ =	swait.ge [sflag:s9], $0x4000  }
0x14: {  	s23 =	sand.u32 $0x380, s16;
	s13 =	sor.u32 s14, s13;
	[sflag:s9] =	ssyncset.done $0x0  }
0x15: {  	s13 =	sor.u32 s23, s13;
	[sflag:s9] =	ssyncadd.s32 $0xFFFFC000  }
0x16: {  	v7 =	vld [tilespmem:s13+$0x0];
	_ =	sdelay $0x4  }
0x17: {  	s24 =	simm.s32 $0x80;
	s25 =	simm.s32 $0x10;
	v0 =	vor.u32 $0x80000000, v7  }
0x18: {  	s26 =	simm.s32 $0x10;
	s15 =	sand.u32 $0x70, s25;
	s14 =	sand.u32 $0xC00, s24;
	v0 =	vmul.f32 $1.442695020e+00, v0  }
0x19: {  	s17 =	simm.s32 $0x4;
	s16 =	sand.u32 $0x3000, s26;
	s14 =	sor.u32 s14, s15  }
0x1a: {  	s28 =	sand.u32 $0x380, s17;
	s14 =	sor.u32 s16, s14;
	(erf) = vpow2.f32 v0  }
0x1b: {  	s17 =	sor.u32 s28, s14  }
0x1c: {  	v3 =	vld [tilespmem:s17+$0x0]  }
0x1d: {  	s29 =	simm.s32 $0x100;
	s30 =	simm.s32 $0x20  }
0x1e: {  	s31 =	simm.s32 $0x20;
	s15 =	sand.u32 $0x70, s30;
	s14 =	sand.u32 $0xC00, s29  }
0x1f: {  	s18 =	simm.s32 $0x8;
	s16 =	sand.u32 $0x3000, s31;
	s14 =	sor.u32 s14, s15  }
0x20: {  	s18 =	sand.u32 $0x380, s18;
	s14 =	sor.u32 s16, s14  }
0x21: {  	s15 =	sor.u32 s18, s14;
	v0 =	vor.u32 $0x80000000, v3  }
0x22: {  	v1 =	vmul.f32 $1.442695020e+00, v0;
	v0 =	vld [tilespmem:s15+$0x0]  }
0x23: {  	v8 =	vpop (erf)  }
0x24: {  	(erf) = vpow2.f32 v1;
	v1 =	vmul.f32 $-5.437093230e-02, v8;
	_ =	sdelay $0x1  }
0x25: {  	s19 =	simm.s32 $0x180;
	s20 =	simm.s32 $0x30;
	v1 =	vadd.f32 $2.164487090e-01, v1  }
0x26: {  	s21 =	simm.s32 $0x30;
	s16 =	sand.u32 $0x70, s20;
	s14 =	sand.u32 $0xC00, s19;
	v2 =	vor.u32 $0x80000000, v0  }
0x27: {  	s18 =	sand.u32 $0x3000, s21;
	s19 =	simm.s32 $0xC;
	s14 =	sor.u32 s14, s16;
	v2 =	vmul.f32 $1.442695020e+00, v2;
	v4 =	vmul.f32 v1, v8  }
0x28: {  	s22 =	sand.u32 $0x380, s19;
	s14 =	sor.u32 s18, s14  }
0x29: {  	s14 =	sor.u32 s22, s14;
	(erf) = vpow2.f32 v2;
	v2 =	vadd.f32 $-4.650204480e-01, v4  }
0x2a: {  	v1 =	vld [tilespmem:s14+$0x0]  }
0x2b: {  	v2 =	vmul.f32 v2, v8  }
0x2c: {  	v5 =	vpop (erf);
	v4 =	vadd.f32 $1.000000000e+00, v8  }
0x2d: {  	s24 =	simm.s32 $0x40;
	s23 =	simm.s32 $0x200;
	v9 =	vld [tilespmem:s13+$0x8000];
	v6 =	vmul.f32 $-5.437093230e-02, v5;
	v10 =	vadd.f32 $9.959657780e-01, v2  }
0x2e: {  	s26 =	simm.s32 $0x40;
	s25 =	sand.u32 $0x70, s24;
	s16 =	sand.u32 $0xC00, s23;
	(erf) = vrcp.f32 v4  }
0x2f: {  	s28 =	simm.s32 $0x10;
	s18 =	sand.u32 $0x3000, s26;
	s13 =	sor.u32 s16, s25;
	v6 =	vadd.f32 $2.164487090e-01, v6;
	v4 =	vor.u32 $0x80000000, v1;
	v10 =	vmul.f32 v10, v8  }
0x30: {  	s29 =	sand.u32 $0x380, s28;
	s13 =	sor.u32 s18, s13;
	v11 =	vmul.f32 $1.442695020e+00, v4  }
0x31: {  	s13 =	sor.u32 s29, s13;
	v12 =	vmul.f32 v6, v5;
	v8 =	vmul.f32 v8, v8;
	v10 =	vadd.f32 $7.942077350e-05, v10  }
0x32: {  	v13 =	vand.u32 $0x7FFFFFFF, v7;
	v9 =	vshll.u32 v9, $0x1F;
	v2 =	vld [tilespmem:s13+$0x0];
	(erf) = vpow2.f32 v11  }
0x33: {  	v7 =	vxor.u32 v7, v9;
	v6 =	vpop (erf);
	v11 =	vadd.f32 $-4.650204480e-01, v12;
	v8 =	vmul.f32 v10, v8  }
0x34: {  	s16 =	simm.s32 $0x280;
	s18 =	simm.s32 $0x50;
	vm0 =	vlt.s32 v7, $0x0;
	v7 =	vld [tilespmem:s17+$0x8000];
	v14 =	vadd.f32 $1.000000000e+00, v5;
	v12 =	vmul.f32 $-5.437093230e-02, v6  }
0x35: {  	s20 =	simm.s32 $0x50;
	s21 =	sand.u32 $0xC00, s16;
	s30 =	sand.u32 $0x70, s18;
	v15 =	vmul.f32 v11, v5;
	v13 =	vadd.f32 v13, v10  }
0x36: {  	s31 =	simm.s32 $0x14;
	s20 =	sand.u32 $0x3000, s20;
	s21 =	sor.u32 s21, s30;
	v4 =	vimm.f32 $0.0e+00;
	(erf) = vrcp.f32 v14;
	v11 =	vadd.f32 $2.164487090e-01, v12  }
0x37: {  	s19 =	sand.u32 $0x380, s31;
	s20 =	sor.u32 s20, s21;
	s17 =	simm.s32 $0x6;
	v9 =	vor.u32 $0x80000000, v2;
	v10 =	vadd.f32 $9.959657780e-01, v15;
	v12 =	vsel vm0, v8, v13;
	v8 =	vpop (erf)  }
.LBB2_2:
0x38: {  	p0 =	sne.s32 s17, $0x3FF;
	s19 =	sor.u32 s19, s20;
	v16 =	vmul.f32 $1.442695020e+00, v9;
	v13 =	vand.u32 $0x7FFFFFFF, v3;
	v12 =	vmul.f32 v12, v8;
	s20 =	smov.u32 s14  }
0x39: {  	s14 =	smov.u32 s13;
	v14 =	vld [tilespmem:s19+$0x0];
	v11 =	vmul.f32 v11, v6;
	v7 =	vshll.u32 v7, $0x1F;
	v10 =	vmul.f32 v10, v5;
	s13 =	smov.u32 s19  }
0x3a: {  	(erf) = vpow2.f32 v16;
	v15 =	vxor.u32 v3, v7;
	v8 =	vmul.f32 v12, v8;
	v3 =	vmovc v0;
	v0 =	vmovc v1  }
.Ltmp0:
0x3b: {  	v12 =	vmul.f32 v5, v5;
	v9 =	vpop (erf);
	v11 =	vadd.f32 $-4.650204480e-01, v11;
	v10 =	vadd.f32 $7.942077350e-05, v10;
	(pc) =	sbr.rel @p0 .LBB2_2-.Ltmp0, $4  }
0x3c: {  	s16 =	sadd.s32 $0x80, s16;
	s18 =	sadd.s32 $0x10, s18;
	v17 =	vadd.f32 $1.000000000e+00, v6;
	v1 =	vmovc v2;
	v5 =	vmovc v6;
	v16 =	vmul.f32 $-5.437093230e-02, v9;
	v7 =	vld [tilespmem:s15+$0x8000];
	v4 =	vadd.f32 v8, v4;
	s15 =	smov.u32 s20  }
0x3d: {  	s19 =	sand.u32 $0x70, s18;
	s21 =	sand.u32 $0xC00, s16;
	s20 =	sshll.u32 s17, $0x4;
	v6 =	vmovc v9;
	v18 =	vmul.f32 v11, v5;
	v13 =	vadd.f32 v13, v10;
	v12 =	vmul.f32 v10, v12  }
0x3e: {  	s22 =	sshll.u32 s17, $0x2;
	s21 =	sor.u32 s21, s19;
	vm0 =	vlt.s32 v15, $0x0;
	s20 =	sand.u32 $0x3000, s20;
	v9 =	vor.u32 $0x80000000, v14;
	(erf) = vrcp.f32 v17;
	v2 =	vmovc v14  }
0x3f: {  	s19 =	sand.u32 $0x380, s22;
	s17 =	sadd.s32 $0x1, s17;
	s20 =	sor.u32 s20, s21;
	v11 =	vadd.f32 $2.164487090e-01, v16;
	v10 =	vadd.f32 $9.959657780e-01, v18;
	v12 =	vsel vm0, v12, v13;
	v8 =	vpop (erf)  }
0x40: {  	s16 =	sor.u32 s19, s20  }
0x41: {  	v13 =	vld [tilespmem:s16+$0x0];
	_ =	sdelay $0x3  }
0x42: {  	v9 =	vmul.f32 $1.442695020e+00, v9;
	v12 =	vmul.f32 v12, v8;
	v15 =	vadd.f32 $1.000000000e+00, v6  }
0x43: {  	v24 =	vmul.f32 v5, v5;
	v33 =	vmul.f32 v6, v6;
	v22 =	vor.u32 $0x80000000, v13  }
0x44: {  	v14 =	vand.u32 $0x7FFFFFFF, v3;
	(erf) = vpow2.f32 v9;
	v9 =	vmul.f32 $1.442695020e+00, v22  }
0x45: {  	v31 =	vand.u32 $0x7FFFFFFF, v0;
	v11 =	vmul.f32 v11, v6;
	(erf) = vrcp.f32 v15  }
0x46: {  	v43 =	vand.u32 $0x7FFFFFFF, v1;
	v48 =	vld [tilespmem:s13+$0x8000];
	v10 =	vmul.f32 v10, v5;
	v23 =	vpop (erf);
	(erf) = vpow2.f32 v9  }
0x47: {  	v55 =	vand.u32 $0x7FFFFFFF, v2;
	v7 =	vshll.u32 v7, $0x1F;
	v11 =	vadd.f32 $-4.650204480e-01, v11  }
0x48: {  	v25 =	vxor.u32 v3, v7;
	v8 =	vmul.f32 v12, v8;
	v10 =	vadd.f32 $7.942077350e-05, v10  }
0x49: {  	vm0 =	vlt.s32 v25, $0x0;
	v26 =	vmul.f32 $-5.437093230e-02, v23;
	v11 =	vmul.f32 v11, v6  }
0x4a: {  	v27 =	vld [tilespmem:s15+$0x8000];
	v4 =	vadd.f32 v8, v4;
	v14 =	vadd.f32 v14, v10;
	v5 =	vmul.f32 v10, v24  }
0x4b: {  	v56 =	vshll.u32 v48, $0x1F;
	v28 =	vadd.f32 $2.164487090e-01, v26;
	v30 =	vadd.f32 $9.959657780e-01, v11  }
0x4c: {  	v36 =	vld [tilespmem:s14+$0x8000];
	v37 =	vadd.f32 $1.000000000e+00, v23;
	v47 =	vmul.f32 v23, v23;
	v57 =	vxor.u32 v2, v56;
	v29 =	vpop (erf)  }
0x4d: {  	v5 =	vsel vm0, v5, v14;
	v3 =	vmul.f32 v28, v23;
	v10 =	vmul.f32 v30, v6;
	v32 =	vpop (erf)  }
0x4e: {  	v60 =	vand.u32 $0x7FFFFFFF, v13;
	v5 =	vmul.f32 v5, v29;
	v34 =	vmul.f32 $-5.437093230e-02, v32;
	v38 =	vpop (erf)  }
0x4f: {  	v9 =	vshll.u32 v27, $0x1F;
	v3 =	vadd.f32 $-4.650204480e-01, v3;
	v10 =	vadd.f32 $7.942077350e-05, v10;
	v39 =	vpop (erf)  }
0x50: {  	v35 =	vxor.u32 v0, v9;
	v11 =	vadd.f32 $2.164487090e-01, v34;
	v40 =	vmul.f32 $-5.437093230e-02, v39  }
0x51: {  	v9 =	vshll.u32 v36, $0x1F;
	v3 =	vmul.f32 v3, v23;
	v6 =	vmul.f32 v10, v33  }
0x52: {  	v8 =	vadd.f32 v31, v10;
	v42 =	vmul.f32 v11, v32;
	v10 =	vadd.f32 $2.164487090e-01, v40  }
0x53: {  	v5 =	vmul.f32 v5, v29;
	vm12 =	vlt.s32 v35, $0x0;
	v44 =	vxor.u32 v1, v9  }
0x54: {  	v41 =	vadd.f32 $9.959657780e-01, v3;
	v3 =	vadd.f32 $-4.650204480e-01, v42;
	v45 =	vmul.f32 v10, v39  }
0x55: {  	v4 =	vadd.f32 v5, v4;
	v46 =	vadd.f32 $1.000000000e+00, v32;
	(erf) = vrcp.f32 v37  }
0x56: {  	v6 =	vsel vm12, v6, v8;
	v3 =	vmul.f32 v3, v32;
	v9 =	vadd.f32 $-4.650204480e-01, v45  }
0x57: {  	v0 =	vmul.f32 v41, v23;
	(erf) = vrcp.f32 v46;
	v49 =	vadd.f32 $1.000000000e+00, v39  }
0x58: {  	v52 =	vld [tilespmem:s16+$0x8000];
	v6 =	vmul.f32 v6, v38;
	v3 =	vadd.f32 $9.959657780e-01, v3;
	v9 =	vmul.f32 v9, v39  }
0x59: {  	vm13 =	vlt.s32 v44, $0x0;
	v0 =	vadd.f32 $7.942077350e-05, v0;
	(erf) = vrcp.f32 v49  }
0x5a: {  	v5 =	vmul.f32 v6, v38;
	v50 =	vmul.f32 v3, v32;
	v53 =	vadd.f32 $9.959657780e-01, v9  }
0x5b: {  	v7 =	vmul.f32 v32, v32;
	v8 =	vadd.f32 v43, v0;
	v0 =	vmul.f32 v0, v47  }
0x5c: {  	v51 =	vadd.f32 v5, v4;
	v1 =	vadd.f32 $7.942077350e-05, v50;
	v5 =	vmul.f32 v53, v39  }
0x5d: {  	v59 =	vmul.f32 v39, v39;
	v4 =	vshll.u32 v52, $0x1F;
	v0 =	vsel vm13, v0, v8  }
0x5e: {  	v54 =	vpop (erf);
	v8 =	vadd.f32 v55, v1;
	v1 =	vmul.f32 v1, v7;
	v58 =	vadd.f32 $7.942077350e-05, v5  }
0x5f: {  	vm14 =	vlt.s32 v57, $0x0;
	v4 =	vxor.u32 v13, v4;
	v0 =	vmul.f32 v0, v54  }
0x60: {  	v61 =	vpop (erf);
	v1 =	vsel vm14, v1, v8;
	v7 =	vadd.f32 v60, v58;
	v2 =	vmul.f32 v58, v59  }
0x61: {  	vm15 =	vlt.s32 v4, $0x0;
	v0 =	vmul.f32 v0, v54;
	v1 =	vmul.f32 v1, v61  }
0x62: {  	v62 =	vpop (erf);
	v2 =	vsel vm15, v2, v7  }
0x63: {  	v0 =	vadd.f32 v0, v51;
	v1 =	vmul.f32 v1, v61;
	v2 =	vmul.f32 v2, v62;
	_ =	sdelay $0x1  }
0x64: {  	v0 =	vadd.f32 v1, v0;
	v63 =	vmul.f32 v2, v62;
	_ =	sdelay $0x1  }
0x65: {  	s12 =	sadd.s32 $0x1, s12;
	v0 =	vadd.f32 v63, v0  }
0x66: {  	p0 =	sne.s32 s12, s6  }
.Ltmp1:
0x67: {  	[tilespmem:$0x10000] =	vst v0;
	(pc) =	sbr.rel @p0 .LBB2_1-.Ltmp1, $4  }
0x68: {  	[hbm4b:s5+s2] =	stream.linear.scatter [tilespmem:s10], [sflag:$0x5], $0x80, $0x38;
	[tilespmem:$0x10080] =	vst v63  }
0x69: {  	_ =	swait.ge [sflag:s11], $0x80  }
0x6a: {  	[sflag:s11] =	ssyncset.done $0x0  }
0x6b: {  	[sflag:s11] =	ssyncadd.s32 $0xFFFFFF80  }
0x6c: {  	_ =	sfence.sel $0x180000  }
0x6d: {  	[bflag:$0x0] =	sbarrier.arrive $0xFFFF  }
0x6e: {  	p0 =	sne.s32 s1, $0x0;
	_ =	strace $0x90000047  }
0x6f: {  	s0 =	sadd.s32 @!p0 $0x100000, s0;
	[bflag:$0x2] =	sbarrier.arrive $0xFFFF  }
0x70: {  	[sflag:s0] =	ssyncadd.tile.s32 @!p0 $0x1;
	_ =	shalt  }
.Lfunc_end2:
_tile_overlayer_lowered:
.L_overlay_start_2:
0x71: {  	(tag) =	ssettag $0x2  }
0x72: {  	s0 =	rddreg [dreg:$0x0];
	s2 =	stileid.u32  }
0x73: {  	s1 =	rddreg [dreg:$0x1];
	p0 =	sne.s32 s2, $0x0  }
0x74: {  	s3 =	rddreg [dreg:$0x2];
	[bflag:$0x3] =	sbarrier.arrive $0xFFFF;
	s2 =	simm.s32 @!p0 $0x1C05  }
0x75: {  	[timem:s3], [sflag:s2] =	dma.local @!p0 [hbm:s0], s1  }
0x76: {  	s0 =	simm.s32 @!p0 $0x5  }
0x77: {  	_ =	swait.ge @!p0 [sflag:s0], s1  }
0x78: {  	s1 =	ssub.s32 @!p0 $0x0, s1;
	[sflag:s0] =	ssyncset.done @!p0 $0x0  }
0x79: {  	[sflag:s0] =	ssyncadd.s32 @!p0 s1  }
0x7a: {  	[bflag:$0x3] =	sbarrier.arrive $0xFFFF  }
0x7b: {  	_ =	shalt  }

</sc_bundles>
